<compile_context>
chip_gen: v7x
topology: tpu7x:2x2x1
jax: 0.10.2.dev20260603
libtpu: 0.0.44.dev20260713+nightly
codegen_flags: <defaults>
</compile_context>

<pallas_src>
import functools

import jax
import jax.numpy as jnp
from jax import lax
from jax.experimental import pallas as pl
from jax.experimental.pallas import tpu as pltpu
from jax.experimental.pallas import tpu_sc as plsc

B_ROWS = 4096
S_COLS = 50
SP = 56
D = 110
DP = 128
V = 96

NC = 2
NS = 16
NW = NC * NS
B_PER_W = B_ROWS // NW
NB = 4
N_STEPS = B_PER_W // NB
IDX_PER_STEP = NB * SP
IDX_PER_G = 112
N_G = IDX_PER_STEP // IDX_PER_G
IDX_PER_W = B_PER_W * SP
NBUF = 3


def _sc_gather(idx_pad, table_pad):
    mesh = plsc.VectorSubcoreMesh(core_axis_name="c", subcore_axis_name="s")

    @functools.partial(
        pl.kernel,
        mesh=mesh,
        out_type=jax.ShapeDtypeStruct((B_ROWS, SP, DP), jnp.float32),
        scratch_types=[
            pltpu.VMEM_SHARED((V, DP), jnp.float32),
            pltpu.VMEM((IDX_PER_W,), jnp.int32),
            pltpu.VMEM((NBUF * NB * SP, DP), jnp.float32),
            pltpu.SemaphoreType.DMA,
            pltpu.SemaphoreType.DMA,
        ],
    )
    def k(idx_hbm, tab_hbm, out_hbm, tab_sp, idx_v, rows_v, sem_g, sem_w):
        cid = lax.axis_index("c")
        sid = lax.axis_index("s")
        wid = sid * NC + cid
        b0 = wid * B_PER_W

        @pl.when(sid == 0)
        def _():
            pltpu.sync_copy(tab_hbm, tab_sp)

        plsc.subcore_barrier()

        pltpu.sync_copy(idx_hbm.at[pl.ds(wid * IDX_PER_W, IDX_PER_W)], idx_v)
        rows_3d = rows_v.reshape(NBUF * NB, SP, DP)

        def step(i, carry):
            buf = lax.rem(i, NBUF)

            @pl.when(i >= NBUF)
            def _():
                pltpu.make_async_copy(
                    rows_3d.at[pl.ds(0, NB)],
                    out_hbm.at[pl.ds(b0, NB)],
                    sem_w,
                ).wait()

            copies = []
            for g in range(N_G):
                idx_sl = idx_v.at[pl.ds(i * IDX_PER_STEP + g * IDX_PER_G,
                                        IDX_PER_G)]
                dst = rows_v.at[pl.ds(buf * NB * SP + g * IDX_PER_G,
                                      IDX_PER_G)]
                copies.append(pltpu.async_copy(tab_sp.at[idx_sl], dst, sem_g))
            for c in copies:
                c.wait()
            pltpu.async_copy(
                rows_3d.at[pl.ds(buf * NB, NB)],
                out_hbm.at[pl.ds(b0 + i * NB, NB)],
                sem_w,
            )
            return carry

        lax.fori_loop(0, N_STEPS, step, 0)

        for _ in range(NBUF):
            pltpu.make_async_copy(
                rows_3d.at[pl.ds(0, NB)],
                out_hbm.at[pl.ds(b0, NB)],
                sem_w,
            ).wait()

    return k(idx_pad, table_pad)


BB2 = 128


def _tc_compact_body(p_ref, out_ref):
    out_ref[...] = p_ref[:, :S_COLS, :D]


def _tc_compact(padded):
    return pl.pallas_call(
        _tc_compact_body,
        grid=(B_ROWS // BB2,),
        in_specs=[pl.BlockSpec((BB2, SP, DP), lambda i: (i, 0, 0))],
        out_specs=pl.BlockSpec((BB2, S_COLS, D), lambda i: (i, 0, 0)),
        out_shape=jax.ShapeDtypeStruct((B_ROWS, S_COLS, D), jnp.float32),
    )(padded)


def kernel(species, table):
    idx_pad = jnp.pad(species, ((0, 0), (0, SP - S_COLS)), mode="edge")
    table_pad = jnp.pad(table, ((0, 0), (0, DP - D)))
    padded = _sc_gather(idx_pad.reshape(B_ROWS * SP), table_pad)
    return _tc_compact(padded)

# --- scband reference (transcript-rebuilt; emitter-appended) ---
"""Pipeline reference for scband-element-array-teanet-with-embedding-82884278878521 (READ-ONLY COPY).

The authoritative reference and input builder live on the scoring server;
editing this copy changes nothing except your own understanding.
"""

import jax, jax.numpy as jnp
import numpy as np

N_SCALAR_INIT = 94
EMBED_DICT = {"1": [0.1, 0.2, 0.3, 0.4, 0.5, 0.6, 0.7, 0.8, 0.9, 1.0, 1.1, 1.2, 1.3, 1.4, 1.5, 1.6], "6": [0.6, 0.6, 0.6, 0.6, 0.6, 0.6, 0.6, 0.6, 0.6, 0.6, 0.6, 0.6, 0.6, 0.6, 0.6, 0.6], "8": [0.8, 0.8, 0.8, 0.8, 0.8, 0.8, 0.8, 0.8, 0.8, 0.8, 0.8, 0.8, 0.8, 0.8, 0.8, 0.8]}


def build_table():
    # one-hot-count block: row i has first i entries = 1.0, sizes [n_scalar_init+2, n_scalar_init]
    rows = []
    for i in range(N_SCALAR_INIT + 1):
        tmp = np.zeros(N_SCALAR_INIT, dtype=np.float32)
        tmp[:i] += 1.0
        rows.append(tmp)
    rows.append(np.zeros(N_SCALAR_INIT, dtype=np.float32))  # extra zero row
    onehot = np.stack(rows, axis=0)  # [96, 94]
    n_species_max = N_SCALAR_INIT + 1  # 95
    n_embed = len(EMBED_DICT["1"])  # 16
    emb = np.zeros((n_species_max + 1, n_embed), dtype=np.float32)  # [96, 16]
    for k, v in EMBED_DICT.items():
        ki = int(k)
        if ki >= emb.shape[0]:
            continue
        emb[ki] = np.asarray(v, dtype=np.float32)
    return np.concatenate([onehot, emb], axis=1)  # [96, 110]


def setup_inputs(seed: int = 0) -> dict:
    key = jax.random.key(seed)
    species = jax.random.randint(key, (4096, 50), 0, 96)  # values in [0, 95] = n_species_max
    table = jnp.asarray(build_table())  # elementnum_to_vector buffer [96, 110]
    return {"species": species, "table": table}


def reference(species, table):
    # res = convert_tensor[species]
    return jnp.take(table, species, axis=0)  # [4096, 50, 110]

if __name__ == "__main__":
    import jax
    _d = setup_inputs()
    print(jax.jit(kernel)(*tuple(_d.values())))

</pallas_src>

<mosaic_0001>
#map = affine_map<(d0, d1) -> (0)>
#map1 = affine_map<(d0, d1) -> (0, 0)>
#map2 = affine_map<(d0, d1) -> (0, 0, 0)>
module attributes {stable_mosaic.version = 14 : i64} {
  func.func @k(%arg0: i32, %arg1: i32, %arg2: memref<229376xi32, #tpu.memory_space<hbm>>, %arg3: memref<96x128xf32, #tpu.memory_space<hbm>>, %arg4: memref<4096x56x128xf32, #tpu.memory_space<hbm>>, %arg5: memref<96x128xf32, #tpu.memory_space<vmem_shared>>, %arg6: memref<7168xi32, #tpu.memory_space<vmem>>, %arg7: memref<672x128xf32, #tpu.memory_space<vmem>>, %arg8: memref<!tpu.dma_semaphore, #tpu.memory_space<semaphore_mem>>, %arg9: memref<!tpu.dma_semaphore, #tpu.memory_space<semaphore_mem>>) attributes {dimension_semantics = [#tpu.dimension_semantics<core_parallel>, #tpu.dimension_semantics<subcore_parallel>], iteration_bounds = array<i64: 2, 16>, scalar_prefetch = 0 : i64, scratch_operands = 5 : i64, tpu.core_type = #tpu.core_type<sc_vector_subcore>, window_params = [{transform_indices = #map}, {transform_indices = #map1}, {transform_indices = #map2}]} {
    %mul3A = arith.constant 2 : i32
    %mul3A_0 = arith.muli %arg1, %mul3A : i32
    %add3A = arith.addi %mul3A_0, %arg0 : i32
    %mul3A_1 = arith.constant 128 : i32
    %mul3A_2 = arith.muli %add3A, %mul3A_1 : i32
    %eq3A = arith.constant 0 : i32
    %eq3A_3 = arith.cmpi eq, %arg1, %eq3A : i32
    %convert_element_type3A = arith.extui %eq3A_3 : i1 to i32
    %cond3A = arith.constant 0 : i32
    %cond3A_4 = arith.cmpi ne, %convert_element_type3A, %cond3A : i32
    scf.if %cond3A_4 {
      "tpu.region"() ({
        %run_scoped3A = tpu.sem_alloc : memref<!tpu.dma_semaphore, #tpu.memory_space<semaphore_mem>>
        tpu.enqueue_dma source(%arg3 : memref<96x128xf32, #tpu.memory_space<hbm>>) target(%arg5 : memref<96x128xf32, #tpu.memory_space<vmem_shared>>) target_semaphore(%run_scoped3A : memref<!tpu.dma_semaphore, #tpu.memory_space<semaphore_mem>>)
        tpu.wait_dma2 semaphore(%run_scoped3A : memref<!tpu.dma_semaphore, #tpu.memory_space<semaphore_mem>>) src(%arg3 : memref<96x128xf32, #tpu.memory_space<hbm>>) dst(%arg5 : memref<96x128xf32, #tpu.memory_space<vmem_shared>>)
        tpu.yield
      }) : () -> ()
    } else {
    }
    %barrier3A = arith.constant 0 : index
    tpu.barrier barrier_id(%barrier3A)
    %mul3A_5 = arith.constant 7168 : i32
    %mul3A_6 = arith.muli %add3A, %mul3A_5 : i32
    "tpu.region"() ({
      %run_scoped3A = tpu.sem_alloc : memref<!tpu.dma_semaphore, #tpu.memory_space<semaphore_mem>>
      %dma_start3A = tpu.memref_slice %arg2[%mul3A_6] : memref<229376xi32, #tpu.memory_space<hbm>> -> memref<7168xi32, #tpu.memory_space<hbm>>
      %dma_start3A_59 = tpu.memref_slice %arg2[%mul3A_6] : memref<229376xi32, #tpu.memory_space<hbm>> -> memref<7168xi32, #tpu.memory_space<hbm>>
      tpu.enqueue_dma source(%dma_start3A_59 : memref<7168xi32, #tpu.memory_space<hbm>>) target(%arg6 : memref<7168xi32, #tpu.memory_space<vmem>>) target_semaphore(%run_scoped3A : memref<!tpu.dma_semaphore, #tpu.memory_space<semaphore_mem>>)
      %dma_wait3A_60 = tpu.memref_slice %arg2[%mul3A_6] : memref<229376xi32, #tpu.memory_space<hbm>> -> memref<7168xi32, #tpu.memory_space<hbm>>
      %dma_wait3A_61 = tpu.memref_slice %arg2[%mul3A_6] : memref<229376xi32, #tpu.memory_space<hbm>> -> memref<7168xi32, #tpu.memory_space<hbm>>
      tpu.wait_dma2 semaphore(%run_scoped3A : memref<!tpu.dma_semaphore, #tpu.memory_space<semaphore_mem>>) src(%dma_wait3A_61 : memref<7168xi32, #tpu.memory_space<hbm>>) dst(%arg6 : memref<7168xi32, #tpu.memory_space<vmem>>)
      tpu.yield
    }) : () -> ()
    %scan3A = arith.constant 0 : i32
    %scan3A_7 = arith.constant 0 : i32
    %scan3A_8 = arith.constant 32 : i32
    %scan3A_9 = arith.addi %scan3A_7, %scan3A_8 : i32
    %scan3A_10 = arith.constant 1 : i32
    scf.for %scan3A_59 = %scan3A_7 to %scan3A_9 step %scan3A_10  : i32 {
      %rem3A = arith.constant 3 : i32
      %rem3A_60 = arith.remsi %scan3A_59, %rem3A : i32
      %ge3A = arith.constant 3 : i32
      %ge3A_61 = arith.cmpi sge, %scan3A_59, %ge3A : i32
      %convert_element_type3A_62 = arith.extui %ge3A_61 : i1 to i32
      %cond3A_63 = arith.constant 0 : i32
      %cond3A_64 = arith.cmpi ne, %convert_element_type3A_62, %cond3A_63 : i32
      scf.if %cond3A_64 {
        %dma_wait3A_127 = tpu.memref_reshape %arg7 : memref<672x128xf32, #tpu.memory_space<vmem>> -> memref<12x56x128xf32, #tpu.memory_space<vmem>>
        %dma_wait3A_128 = arith.constant 0 : i32
        %dma_wait3A_129 = arith.constant 0 : i32
        %dma_wait3A_130 = arith.constant 0 : i32
        %dma_wait3A_131 = tpu.memref_slice %dma_wait3A_127[%dma_wait3A_128, %dma_wait3A_129, %dma_wait3A_130] : memref<12x56x128xf32, #tpu.memory_space<vmem>> -> memref<4x56x128xf32, #tpu.memory_space<vmem>>
        %dma_wait3A_132 = arith.constant 0 : i32
        %dma_wait3A_133 = arith.constant 0 : i32
        %dma_wait3A_134 = tpu.memref_slice %arg4[%mul3A_2, %dma_wait3A_132, %dma_wait3A_133] : memref<4096x56x128xf32, #tpu.memory_space<hbm>> -> memref<4x56x128xf32, #tpu.memory_space<hbm>>
        %dma_wait3A_135 = arith.constant 0 : i32
        %dma_wait3A_136 = arith.constant 0 : i32
        %dma_wait3A_137 = tpu.memref_slice %arg4[%mul3A_2, %dma_wait3A_135, %dma_wait3A_136] : memref<4096x56x128xf32, #tpu.memory_space<hbm>> -> memref<4x56x128xf32, #tpu.memory_space<hbm>>
        %dma_wait3A_138 = tpu.memref_reshape %arg7 : memref<672x128xf32, #tpu.memory_space<vmem>> -> memref<12x56x128xf32, #tpu.memory_space<vmem>>
        %dma_wait3A_139 = arith.constant 0 : i32
        %dma_wait3A_140 = arith.constant 0 : i32
        %dma_wait3A_141 = arith.constant 0 : i32
        %dma_wait3A_142 = tpu.memref_slice %dma_wait3A_138[%dma_wait3A_139, %dma_wait3A_140, %dma_wait3A_141] : memref<12x56x128xf32, #tpu.memory_space<vmem>> -> memref<4x56x128xf32, #tpu.memory_space<vmem>>
        tpu.wait_dma2 semaphore(%arg9 : memref<!tpu.dma_semaphore, #tpu.memory_space<semaphore_mem>>) src(%dma_wait3A_142 : memref<4x56x128xf32, #tpu.memory_space<vmem>>) dst(%dma_wait3A_137 : memref<4x56x128xf32, #tpu.memory_space<hbm>>)
      } else {
      }
      %mul3A_65 = arith.constant 224 : i32
      %mul3A_66 = arith.muli %scan3A_59, %mul3A_65 : i32
      %add3A_67 = arith.constant 0 : i32
      %add3A_68 = arith.addi %mul3A_66, %add3A_67 : i32
      %mul3A_69 = arith.constant 4 : i32
      %mul3A_70 = arith.muli %rem3A_60, %mul3A_69 : i32
      %mul3A_71 = arith.constant 56 : i32
      %mul3A_72 = arith.muli %mul3A_70, %mul3A_71 : i32
      %add3A_73 = arith.constant 0 : i32
      %add3A_74 = arith.addi %mul3A_72, %add3A_73 : i32
      %dma_start3A = arith.constant 0 : i32
      %dma_start3A_75 = tpu.memref_slice %arg7[%add3A_74, %dma_start3A] : memref<672x128xf32, #tpu.memory_space<vmem>> -> memref<112x128xf32, #tpu.memory_space<vmem>>
      %dma_start3A_76 = tpu.memref_slice %arg6[%add3A_68] : memref<7168xi32, #tpu.memory_space<vmem>> -> memref<112xi32, #tpu.memory_space<vmem>>
      %dma_start3A_77 = arith.constant 0 : i32
      %dma_start3A_78 = arith.constant 0 : i32
      %dma_start3A_79 = tpu.memref_slice %arg5[%dma_start3A_77, %dma_start3A_78] : memref<96x128xf32, #tpu.memory_space<vmem_shared>> -> memref<96x128xf32, #tpu.memory_space<vmem_shared>>
      tpu.enqueue_indirect_dma source(%dma_start3A_79 : memref<96x128xf32, #tpu.memory_space<vmem_shared>>) target(%dma_start3A_75 : memref<112x128xf32, #tpu.memory_space<vmem>>) offsets(%dma_start3A_76 : memref<112xi32, #tpu.memory_space<vmem>>) semaphore(%arg8 : memref<!tpu.dma_semaphore, #tpu.memory_space<semaphore_mem>>)
      %mul3A_80 = arith.constant 224 : i32
      %mul3A_81 = arith.muli %scan3A_59, %mul3A_80 : i32
      %add3A_82 = arith.constant 112 : i32
      %add3A_83 = arith.addi %mul3A_81, %add3A_82 : i32
      %mul3A_84 = arith.constant 4 : i32
      %mul3A_85 = arith.muli %rem3A_60, %mul3A_84 : i32
      %mul3A_86 = arith.constant 56 : i32
      %mul3A_87 = arith.muli %mul3A_85, %mul3A_86 : i32
      %add3A_88 = arith.constant 112 : i32
      %add3A_89 = arith.addi %mul3A_87, %add3A_88 : i32
      %dma_start3A_90 = arith.constant 0 : i32
      %dma_start3A_91 = tpu.memref_slice %arg7[%add3A_89, %dma_start3A_90] : memref<672x128xf32, #tpu.memory_space<vmem>> -> memref<112x128xf32, #tpu.memory_space<vmem>>
      %dma_start3A_92 = tpu.memref_slice %arg6[%add3A_83] : memref<7168xi32, #tpu.memory_space<vmem>> -> memref<112xi32, #tpu.memory_space<vmem>>
      %dma_start3A_93 = arith.constant 0 : i32
      %dma_start3A_94 = arith.constant 0 : i32
      %dma_start3A_95 = tpu.memref_slice %arg5[%dma_start3A_93, %dma_start3A_94] : memref<96x128xf32, #tpu.memory_space<vmem_shared>> -> memref<96x128xf32, #tpu.memory_space<vmem_shared>>
      tpu.enqueue_indirect_dma source(%dma_start3A_95 : memref<96x128xf32, #tpu.memory_space<vmem_shared>>) target(%dma_start3A_91 : memref<112x128xf32, #tpu.memory_space<vmem>>) offsets(%dma_start3A_92 : memref<112xi32, #tpu.memory_space<vmem>>) semaphore(%arg8 : memref<!tpu.dma_semaphore, #tpu.memory_space<semaphore_mem>>)
      %dma_wait3A_96 = arith.constant 0 : i32
      %dma_wait3A_97 = tpu.memref_slice %arg7[%add3A_74, %dma_wait3A_96] : memref<672x128xf32, #tpu.memory_space<vmem>> -> memref<112x128xf32, #tpu.memory_space<vmem>>
      %dma_wait3A_98 = tpu.memref_slice %arg6[%add3A_68] : memref<7168xi32, #tpu.memory_space<vmem>> -> memref<112xi32, #tpu.memory_space<vmem>>
      %dma_wait3A_99 = arith.constant 0 : i32
      %dma_wait3A_100 = arith.constant 0 : i32
      %dma_wait3A_101 = tpu.memref_slice %arg5[%dma_wait3A_99, %dma_wait3A_100] : memref<96x128xf32, #tpu.memory_space<vmem_shared>> -> memref<96x128xf32, #tpu.memory_space<vmem_shared>>
      tpu.wait_indirect_dma semaphore(%arg8 : memref<!tpu.dma_semaphore, #tpu.memory_space<semaphore_mem>>) src(%dma_wait3A_101 : memref<96x128xf32, #tpu.memory_space<vmem_shared>>) dst(%dma_wait3A_97 : memref<112x128xf32, #tpu.memory_space<vmem>>)
      %dma_wait3A_102 = arith.constant 0 : i32
      %dma_wait3A_103 = tpu.memref_slice %arg7[%add3A_89, %dma_wait3A_102] : memref<672x128xf32, #tpu.memory_space<vmem>> -> memref<112x128xf32, #tpu.memory_space<vmem>>
      %dma_wait3A_104 = tpu.memref_slice %arg6[%add3A_83] : memref<7168xi32, #tpu.memory_space<vmem>> -> memref<112xi32, #tpu.memory_space<vmem>>
      %dma_wait3A_105 = arith.constant 0 : i32
      %dma_wait3A_106 = arith.constant 0 : i32
      %dma_wait3A_107 = tpu.memref_slice %arg5[%dma_wait3A_105, %dma_wait3A_106] : memref<96x128xf32, #tpu.memory_space<vmem_shared>> -> memref<96x128xf32, #tpu.memory_space<vmem_shared>>
      tpu.wait_indirect_dma semaphore(%arg8 : memref<!tpu.dma_semaphore, #tpu.memory_space<semaphore_mem>>) src(%dma_wait3A_107 : memref<96x128xf32, #tpu.memory_space<vmem_shared>>) dst(%dma_wait3A_103 : memref<112x128xf32, #tpu.memory_space<vmem>>)
      %mul3A_108 = arith.constant 4 : i32
      %mul3A_109 = arith.muli %rem3A_60, %mul3A_108 : i32
      %mul3A_110 = arith.constant 4 : i32
      %mul3A_111 = arith.muli %scan3A_59, %mul3A_110 : i32
      %add3A_112 = arith.addi %mul3A_2, %mul3A_111 : i32
      %dma_start3A_113 = tpu.memref_reshape %arg7 : memref<672x128xf32, #tpu.memory_space<vmem>> -> memref<12x56x128xf32, #tpu.memory_space<vmem>>
      %dma_start3A_114 = arith.constant 0 : i32
      %dma_start3A_115 = arith.constant 0 : i32
      %dma_start3A_116 = tpu.memref_slice %dma_start3A_113[%mul3A_109, %dma_start3A_114, %dma_start3A_115] : memref<12x56x128xf32, #tpu.memory_space<vmem>> -> memref<4x56x128xf32, #tpu.memory_space<vmem>>
      %dma_start3A_117 = arith.constant 0 : i32
      %dma_start3A_118 = arith.constant 0 : i32
      %dma_start3A_119 = tpu.memref_slice %arg4[%add3A_112, %dma_start3A_117, %dma_start3A_118] : memref<4096x56x128xf32, #tpu.memory_space<hbm>> -> memref<4x56x128xf32, #tpu.memory_space<hbm>>
      %dma_start3A_120 = arith.constant 0 : i32
      %dma_start3A_121 = arith.constant 0 : i32
      %dma_start3A_122 = tpu.memref_slice %arg4[%add3A_112, %dma_start3A_120, %dma_start3A_121] : memref<4096x56x128xf32, #tpu.memory_space<hbm>> -> memref<4x56x128xf32, #tpu.memory_space<hbm>>
      %dma_start3A_123 = tpu.memref_reshape %arg7 : memref<672x128xf32, #tpu.memory_space<vmem>> -> memref<12x56x128xf32, #tpu.memory_space<vmem>>
      %dma_start3A_124 = arith.constant 0 : i32
      %dma_start3A_125 = arith.constant 0 : i32
      %dma_start3A_126 = tpu.memref_slice %dma_start3A_123[%mul3A_109, %dma_start3A_124, %dma_start3A_125] : memref<12x56x128xf32, #tpu.memory_space<vmem>> -> memref<4x56x128xf32, #tpu.memory_space<vmem>>
      tpu.enqueue_dma source(%dma_start3A_126 : memref<4x56x128xf32, #tpu.memory_space<vmem>>) target(%dma_start3A_122 : memref<4x56x128xf32, #tpu.memory_space<hbm>>) target_semaphore(%arg9 : memref<!tpu.dma_semaphore, #tpu.memory_space<semaphore_mem>>)
    }
    %scan3A_11 = arith.constant 32 : i32
    %dma_wait3A = tpu.memref_reshape %arg7 : memref<672x128xf32, #tpu.memory_space<vmem>> -> memref<12x56x128xf32, #tpu.memory_space<vmem>>
    %dma_wait3A_12 = arith.constant 0 : i32
    %dma_wait3A_13 = arith.constant 0 : i32
    %dma_wait3A_14 = arith.constant 0 : i32
    %dma_wait3A_15 = tpu.memref_slice %dma_wait3A[%dma_wait3A_12, %dma_wait3A_13, %dma_wait3A_14] : memref<12x56x128xf32, #tpu.memory_space<vmem>> -> memref<4x56x128xf32, #tpu.memory_space<vmem>>
    %dma_wait3A_16 = arith.constant 0 : i32
    %dma_wait3A_17 = arith.constant 0 : i32
    %dma_wait3A_18 = tpu.memref_slice %arg4[%mul3A_2, %dma_wait3A_16, %dma_wait3A_17] : memref<4096x56x128xf32, #tpu.memory_space<hbm>> -> memref<4x56x128xf32, #tpu.memory_space<hbm>>
    %dma_wait3A_19 = arith.constant 0 : i32
    %dma_wait3A_20 = arith.constant 0 : i32
    %dma_wait3A_21 = tpu.memref_slice %arg4[%mul3A_2, %dma_wait3A_19, %dma_wait3A_20] : memref<4096x56x128xf32, #tpu.memory_space<hbm>> -> memref<4x56x128xf32, #tpu.memory_space<hbm>>
    %dma_wait3A_22 = tpu.memref_reshape %arg7 : memref<672x128xf32, #tpu.memory_space<vmem>> -> memref<12x56x128xf32, #tpu.memory_space<vmem>>
    %dma_wait3A_23 = arith.constant 0 : i32
    %dma_wait3A_24 = arith.constant 0 : i32
    %dma_wait3A_25 = arith.constant 0 : i32
    %dma_wait3A_26 = tpu.memref_slice %dma_wait3A_22[%dma_wait3A_23, %dma_wait3A_24, %dma_wait3A_25] : memref<12x56x128xf32, #tpu.memory_space<vmem>> -> memref<4x56x128xf32, #tpu.memory_space<vmem>>
    tpu.wait_dma2 semaphore(%arg9 : memref<!tpu.dma_semaphore, #tpu.memory_space<semaphore_mem>>) src(%dma_wait3A_26 : memref<4x56x128xf32, #tpu.memory_space<vmem>>) dst(%dma_wait3A_21 : memref<4x56x128xf32, #tpu.memory_space<hbm>>)
    %dma_wait3A_27 = tpu.memref_reshape %arg7 : memref<672x128xf32, #tpu.memory_space<vmem>> -> memref<12x56x128xf32, #tpu.memory_space<vmem>>
    %dma_wait3A_28 = arith.constant 0 : i32
    %dma_wait3A_29 = arith.constant 0 : i32
    %dma_wait3A_30 = arith.constant 0 : i32
    %dma_wait3A_31 = tpu.memref_slice %dma_wait3A_27[%dma_wait3A_28, %dma_wait3A_29, %dma_wait3A_30] : memref<12x56x128xf32, #tpu.memory_space<vmem>> -> memref<4x56x128xf32, #tpu.memory_space<vmem>>
    %dma_wait3A_32 = arith.constant 0 : i32
    %dma_wait3A_33 = arith.constant 0 : i32
    %dma_wait3A_34 = tpu.memref_slice %arg4[%mul3A_2, %dma_wait3A_32, %dma_wait3A_33] : memref<4096x56x128xf32, #tpu.memory_space<hbm>> -> memref<4x56x128xf32, #tpu.memory_space<hbm>>
    %dma_wait3A_35 = arith.constant 0 : i32
    %dma_wait3A_36 = arith.constant 0 : i32
    %dma_wait3A_37 = tpu.memref_slice %arg4[%mul3A_2, %dma_wait3A_35, %dma_wait3A_36] : memref<4096x56x128xf32, #tpu.memory_space<hbm>> -> memref<4x56x128xf32, #tpu.memory_space<hbm>>
    %dma_wait3A_38 = tpu.memref_reshape %arg7 : memref<672x128xf32, #tpu.memory_space<vmem>> -> memref<12x56x128xf32, #tpu.memory_space<vmem>>
    %dma_wait3A_39 = arith.constant 0 : i32
    %dma_wait3A_40 = arith.constant 0 : i32
    %dma_wait3A_41 = arith.constant 0 : i32
    %dma_wait3A_42 = tpu.memref_slice %dma_wait3A_38[%dma_wait3A_39, %dma_wait3A_40, %dma_wait3A_41] : memref<12x56x128xf32, #tpu.memory_space<vmem>> -> memref<4x56x128xf32, #tpu.memory_space<vmem>>
    tpu.wait_dma2 semaphore(%arg9 : memref<!tpu.dma_semaphore, #tpu.memory_space<semaphore_mem>>) src(%dma_wait3A_42 : memref<4x56x128xf32, #tpu.memory_space<vmem>>) dst(%dma_wait3A_37 : memref<4x56x128xf32, #tpu.memory_space<hbm>>)
    %dma_wait3A_43 = tpu.memref_reshape %arg7 : memref<672x128xf32, #tpu.memory_space<vmem>> -> memref<12x56x128xf32, #tpu.memory_space<vmem>>
    %dma_wait3A_44 = arith.constant 0 : i32
    %dma_wait3A_45 = arith.constant 0 : i32
    %dma_wait3A_46 = arith.constant 0 : i32
    %dma_wait3A_47 = tpu.memref_slice %dma_wait3A_43[%dma_wait3A_44, %dma_wait3A_45, %dma_wait3A_46] : memref<12x56x128xf32, #tpu.memory_space<vmem>> -> memref<4x56x128xf32, #tpu.memory_space<vmem>>
    %dma_wait3A_48 = arith.constant 0 : i32
    %dma_wait3A_49 = arith.constant 0 : i32
    %dma_wait3A_50 = tpu.memref_slice %arg4[%mul3A_2, %dma_wait3A_48, %dma_wait3A_49] : memref<4096x56x128xf32, #tpu.memory_space<hbm>> -> memref<4x56x128xf32, #tpu.memory_space<hbm>>
    %dma_wait3A_51 = arith.constant 0 : i32
    %dma_wait3A_52 = arith.constant 0 : i32
    %dma_wait3A_53 = tpu.memref_slice %arg4[%mul3A_2, %dma_wait3A_51, %dma_wait3A_52] : memref<4096x56x128xf32, #tpu.memory_space<hbm>> -> memref<4x56x128xf32, #tpu.memory_space<hbm>>
    %dma_wait3A_54 = tpu.memref_reshape %arg7 : memref<672x128xf32, #tpu.memory_space<vmem>> -> memref<12x56x128xf32, #tpu.memory_space<vmem>>
    %dma_wait3A_55 = arith.constant 0 : i32
    %dma_wait3A_56 = arith.constant 0 : i32
    %dma_wait3A_57 = arith.constant 0 : i32
    %dma_wait3A_58 = tpu.memref_slice %dma_wait3A_54[%dma_wait3A_55, %dma_wait3A_56, %dma_wait3A_57] : memref<12x56x128xf32, #tpu.memory_space<vmem>> -> memref<4x56x128xf32, #tpu.memory_space<vmem>>
    tpu.wait_dma2 semaphore(%arg9 : memref<!tpu.dma_semaphore, #tpu.memory_space<semaphore_mem>>) src(%dma_wait3A_58 : memref<4x56x128xf32, #tpu.memory_space<vmem>>) dst(%dma_wait3A_53 : memref<4x56x128xf32, #tpu.memory_space<hbm>>)
    return
  }
}

module attributes {stable_mosaic.version = 14 : i64} {
  func.func @_tc_compact_body(%arg0: i32, %arg1: memref<128x56x128xf32, #tpu.memory_space<vmem>>, %arg2: memref<128x50x110xf32, #tpu.memory_space<vmem>>) attributes {dimension_semantics = [#tpu.dimension_semantics<arbitrary>], iteration_bounds = array<i64: 32>, scalar_prefetch = 0 : i64, scratch_operands = 0 : i64, tpu.core_type = #tpu.core_type<tc>, window_params = [{transform_indices = @transform_0, window_bounds = array<i64: 128, 56, 128>}, {transform_indices = @transform_1, window_bounds = array<i64: 128, 50, 110>}]} {
    %get3A = arith.constant 0 : index
    %get3A_0 = arith.constant 0 : index
    %get3A_1 = arith.constant 0 : index
    %get3A_2 = vector.load %arg1[%get3A, %get3A_0, %get3A_1] : memref<128x56x128xf32, #tpu.memory_space<vmem>>, vector<128x50x110xf32>
    %swap3A = arith.constant 0 : index
    %swap3A_3 = arith.constant 0 : index
    %swap3A_4 = arith.constant 0 : index
    %swap3A_5 = vector.load %arg2[%swap3A, %swap3A_3, %swap3A_4] : memref<128x50x110xf32, #tpu.memory_space<vmem>>, vector<128x50x110xf32>
    tpu.vector_store %arg2[%swap3A, %swap3A_3, %swap3A_4], %get3A_2 {strides = array<i32>} : memref<128x50x110xf32, #tpu.memory_space<vmem>>, vector<128x50x110xf32>,
    return
  }
  func.func @transform_0(%arg0: i32) -> (i32, i32, i32) {
    %c0_i32 = arith.constant 0 : i32
    %c0_i32_0 = arith.constant 0 : i32
    %c0_i32_1 = arith.constant 0 : i32
    return %arg0, %c0_i32, %c0_i32_0 : i32, i32, i32
  }
  func.func @transform_1(%arg0: i32) -> (i32, i32, i32) {
    %c0_i32 = arith.constant 0 : i32
    %c0_i32_0 = arith.constant 0 : i32
    %c0_i32_1 = arith.constant 0 : i32
    return %arg0, %c0_i32, %c0_i32_0 : i32, i32, i32
  }
}

</mosaic_0001>

<sc_bundles>
// kernel: kernel.4.cloned.1.call-start
scs
__scs_entry_jumppad:
0x0: {  	(pc) =	sbr.rel $0x88, $3  }
0x1: {  	(tag) =	ssettag $0x0;
	lr =	simm.s32 $0x1  }
0x2: {  	[smem:$0x3F9F] =	sst lr;
	_ =	strace $0xD0000000  }
0x3: {  	_ = 	snop  }
0x4: {  	_ = 	snop  }
0x5: {  	_ = 	snop  }
0x6: {  	_ = 	snop  }
0x7: {  	_ = 	snop  }
__scs_overlays_trampoline_lowered:
0x8: {  	[smem:$0x3FAE] =	sst s0  }
0x9: {  	[smem:$0x3FAF] =	sst s1  }
0xa: {  	[smem:$0x3FB0] =	sst s2  }
0xb: {  	[smem:$0x3FB1] =	sst s3  }
0xc: {  	[smem:$0x3FB2] =	sst s4  }
0xd: {  	[smem:$0x3FB3] =	sst s5  }
0xe: {  	[smem:$0x3FB4] =	sst s6  }
0xf: {  	[smem:$0x3FB5] =	sst s7  }
0x10: {  	[smem:$0x3FB6] =	sst s8  }
0x11: {  	[smem:$0x3FB7] =	sst s9;
	s0 =	simm.s32 @!p0 $0x0  }
0x12: {  	s1 =	sld [smem:$0x3F9D];
	s0 =	simm.s32 @p0 $0x1  }
0x13: {  	[smem:$0x3FB8] =	sst s0;
	s0 =	simm.s32 @!p1 $0x0  }
0x14: {  	s2 =	sld [smem:$0x3F9C];
	s0 =	simm.s32 @p1 $0x1  }
0x15: {  	[smem:$0x3FB9] =	sst s0;
	s0 =	simm.s32 @!p2 $0x0  }
0x16: {  	s3 =	sld [smem:$0x3FDB];
	s0 =	simm.s32 @p2 $0x1  }
0x17: {  	s4 =	simm.s32 $0x1BF5;
	[smem:$0x3FBB] =	sst s0  }
0x18: {  	s0 =	sld [smem:$0x3F9E];
	_ =	swait.ge [sflag:s4], $0x0  }
0x19: {  	s7 =	sld [smem:$0x3F9F]  }
0x1a: {  	s8 =	sadd.s32 $0xFFFFE003, lr  }
0x1b: {  	s9 =	sadd.s32 $0xFFFFFEF7, lr;
	s5 =	simm.s32 $0xFFFFFFFF;
	p2 =	slt.u32 s8, $0xFFFFF086  }
0x1c: {  	p1 =	slt.u32 s9, $0xF7A;
	s5 =	simm.s32 @!p2 $0x0  }
0x1d: {  	s5 =	simm.s32 @p1 $0x1;
	p0 =	seq.s32 s7, s2  }
0x1e: {  	s7 =	smul.u32 @!p0 $0xF7A, s2;
	p2 =	seq.s32 @!p0 s5, $0x0  }
0x1f: {  	s9 =	smul.u32 $0xF7A, s1;
	s8 =	simm.s32 @!p0 $0x1BF5;
	p2 =	por !p2, p0  }
0x20: {  	[sflag:s8] =	ssyncset.s32 @!p0 $0xFFFFF086;
	s6 =	sadd.s32 @!p0 s3, s7;
	s7 =	simm.s32 @!p0 $0x108  }
0x21: {  	s3 =	sadd.s32 s3, s9;
	s6 =	sadd.s32 @!p0 $0x88, s6;
	s7 =	simm.s32 @p2 $0x1082  }
0x22: {  	[simem:s7], [sflag:s8] =	dma.local @!p0 [hbm:s6], $0xF7A  }
0x23: {  	s9 =	sor.u32 $0xD0000000, s2;
	s6 =	simm.s32 $0x108;
	_ =	swait.ge @!p0 [sflag:s8], $0x0  }
0x24: {  	s3 =	sadd.s32 $0x88, s3;
	s6 =	simm.s32 @!p1 $0x1082;
	[sflag:s4] =	ssyncset.s32 $0xFFFFF086  }
0x25: {  	[simem:s6], [sflag:s4] =	dma.local [hbm:s3], $0xF7A  }
0x26: {  	[smem:$0x3F9F] =	sst s1;
	(tag) =	ssettag s2;
	_ =	strace s9  }
0x27: {  	s1 =	sld [smem:$0x3FAF]  }
0x28: {  	s2 =	sld [smem:$0x3FB0]  }
0x29: {  	s4 =	sld [smem:$0x3FB2]  }
0x2a: {  	p0 =	seq.s32 s5, $0x0;
	s5 =	sld [smem:$0x3FB3]  }
0x2b: {  	s6 =	sld [smem:$0x3FB4]  }
0x2c: {  	s7 =	sld [smem:$0x3FB5]  }
0x2d: {  	s3 =	simm.s32 $0x108;
	s8 =	sld [smem:$0x3FB6]  }
0x2e: {  	s3 =	simm.s32 @!p0 $0x1082;
	s9 =	sld [smem:$0x3FB7]  }
0x2f: {  	lr =	sadd.s32 s0, s3;
	s0 =	sld [smem:$0x3FAE]  }
0x30: {  	s3 =	sld [smem:$0x3FB1]  }
0x31: {  	[smem:$0x3FBA] =	sst s10  }
0x32: {  	s10 =	sld [smem:$0x3FB8];
	_ =	sdelay $0x3  }
0x33: {  	p0 =	seq.s32 s10, $0x1;
	s10 =	sld [smem:$0x3FBA];
	_ =	sdelay $0x3  }
0x34: {  	[smem:$0x3FBA] =	sst s10  }
0x35: {  	s10 =	sld [smem:$0x3FB9];
	_ =	sdelay $0x3  }
0x36: {  	p1 =	seq.s32 s10, $0x1;
	s10 =	sld [smem:$0x3FBA];
	_ =	sdelay $0x3  }
0x37: {  	[smem:$0x3FBA] =	sst s10  }
0x38: {  	s10 =	sld [smem:$0x3FBB]  }
0x39: {  	_ = 	snop;
	(pc) =	sbr.ind lr, $3  }
0x3a: {  	_ = 	snop  }
0x3b: {  	_ = 	snop  }
0x3c: {  	p2 =	seq.s32 s10, $0x1;
	s10 =	sld [smem:$0x3FBA]  }
0x3d: {  	_ =	shalt  }
0x3e: {  	_ =	shalt  }
0x3f: {  	_ =	shalt  }
0x40: {  	_ =	shalt  }
0x41: {  	_ =	shalt  }
0x42: {  	_ =	shalt  }
0x43: {  	_ =	shalt  }
0x44: {  	_ =	shalt  }
0x45: {  	_ =	shalt  }
0x46: {  	_ =	shalt  }
0x47: {  	_ =	shalt  }
0x48: {  	_ =	shalt  }
0x49: {  	_ =	shalt  }
0x4a: {  	_ =	shalt  }
0x4b: {  	_ =	shalt  }
0x4c: {  	_ =	shalt  }
0x4d: {  	_ =	shalt  }
0x4e: {  	_ =	shalt  }
0x4f: {  	_ =	shalt  }
0x50: {  	_ =	shalt  }
0x51: {  	_ =	shalt  }
0x52: {  	_ =	shalt  }
0x53: {  	_ =	shalt  }
0x54: {  	_ =	shalt  }
0x55: {  	_ =	shalt  }
0x56: {  	_ =	shalt  }
0x57: {  	_ =	shalt  }
0x58: {  	_ =	shalt  }
0x59: {  	_ =	shalt  }
0x5a: {  	_ =	shalt  }
0x5b: {  	_ =	shalt  }
0x5c: {  	_ =	shalt  }
0x5d: {  	_ =	shalt  }
0x5e: {  	_ =	shalt  }
0x5f: {  	_ =	shalt  }
0x60: {  	_ =	shalt  }
0x61: {  	_ =	shalt  }
0x62: {  	_ =	shalt  }
0x63: {  	_ =	shalt  }
0x64: {  	_ =	shalt  }
0x65: {  	_ =	shalt  }
0x66: {  	_ =	shalt  }
0x67: {  	_ =	shalt  }
0x68: {  	_ =	shalt  }
0x69: {  	_ =	shalt  }
0x6a: {  	_ =	shalt  }
0x6b: {  	_ =	shalt  }
0x6c: {  	_ =	shalt  }
0x6d: {  	_ =	shalt  }
0x6e: {  	_ =	shalt  }
0x6f: {  	_ =	shalt  }
0x70: {  	_ =	shalt  }
0x71: {  	_ =	shalt  }
0x72: {  	_ =	shalt  }
0x73: {  	_ =	shalt  }
0x74: {  	_ =	shalt  }
0x75: {  	_ =	shalt  }
0x76: {  	_ =	shalt  }
0x77: {  	_ =	shalt  }
0x78: {  	_ =	shalt  }
0x79: {  	_ =	shalt  }
0x7a: {  	_ =	shalt  }
0x7b: {  	_ =	shalt  }
0x7c: {  	_ =	shalt  }
0x7d: {  	_ =	shalt  }
0x7e: {  	_ =	shalt  }
0x7f: {  	_ =	shalt  }
0x80: {  	_ =	shalt  }
0x81: {  	_ =	shalt  }
0x82: {  	_ =	shalt  }
0x83: {  	_ =	shalt  }
0x84: {  	_ =	shalt  }
0x85: {  	_ =	shalt  }
0x86: {  	_ =	shalt  }
0x87: {  	_ =	shalt  }
.Lfunc_end0:
.L_simem_size_0:
called_computation_lowered:
.L_overlay_start_0:
0x88: {  	s2 =	sld [smem:$0x3FD9]  }
0x89: {  	s3 =	sld [smem:$0x3FFE];
	_ =	sdelay $0x1  }
0x8a: {  	s1 =	srdreg.scid  }
0x8b: {  	s0 =	sand.u32 $0x1, s1  }
0x8c: {  	s17 =	sshll.u32 s0, $0xA;
	s2 =	sadd.s32 s3, s2  }
0x8d: {  	s2 =	sadd.s32 s2, s17  }
0x8e: {  	[smem:$0x3FC6] =	sst s2  }
0x8f: {  	_ = 	snop  }
0x90: {  	s2 =	sld [smem:$0x3FD0];
	(tm) =	ssettm $0x1  }
0x91: {  	s18 =	sld [smem:$0x3FFB];
	_ =	sdelay $0x3  }
0x92: {  	_ =	strace s18  }
0x93: {  	s3 =	sld [smem:$0x3FFC];
	_ =	sdelay $0x3  }
0x94: {  	_ =	strace s3  }
0x95: {  	s3 =	sld [smem:$0x3FFD];
	_ =	sdelay $0x3  }
0x96: {  	_ =	strace s3  }
0x97: {  	_ =	strace $0x8FFFFFFF  }
0x98: {  	s19 =	sld [smem:$0x3FDB];
	_ =	sdelay $0x1  }
0x99: {  	s4 =	simm.s32 $_scs_section_size  }
0x9a: {  	s5 =	simm.s32 $_size__tile_overlayer_lowered;
	s6 =	simm.s32 $_tile_overlayer_lowered  }
0x9b: {  	s22 =	simm.s32 $0x1BFF;
	s21 =	sshll.u32 s6, $0x1;
	s3 =	sadd.s32 s4, s19  }
0x9c: {  	s7 =	simm.s32 $0x0;
	s20 =	sshll.u32 s5, $0x1;
	s5 =	sadd.s32 s21, s3  }
0x9d: {  	[timem:s7], [sflag:s22] =	dma.local [hbm:s5], s20  }
0x9e: {  	_ =	swait.ge [sflag:s22], s20  }
0x9f: {  	s4 =	ssub.s32 $0x0, s20;
	[sflag:s22] =	ssyncset.done $0x0  }
0xa0: {  	[sflag:s22] =	ssyncadd.s32 s4;
	_ =	sdelay $0x1  }
0xa1: {  	s23 =	simm.s32 $0x1B8B  }
0xa2: {  	_ =	swait.ge [sflag:s23], $0x1  }
0xa3: {  	[sflag:s23] =	ssyncset.done $0x0  }
0xa4: {  	s25 =	simm.s32 $0x1B8E;
	s24 =	sld [smem:$0x3FFE];
	[sflag:s23] =	ssyncadd.s32 $0xFFFFFFFF  }
0xa5: {  	s26 =	simm.s32 $execute0_lowered;
	[smem:$0x3FD2] =	sst s25  }
0xa6: {  	s5 =	sshll.u32 s26, $0x1;
	_ =	strace $0x80000046;
	[dreg:$0x1] =	wrdreg $0xFFFFFFFF  }
0xa7: {  	s28 =	simm.s32 $_size_execute0_lowered;
	s3 =	sadd.s32 s3, s5;
	[dreg:$0x0] =	wrdreg $0x0  }
0xa8: {  	s5 =	sshll.u32 s28, $0x1;
	[dreg:$0x2] =	wrdreg s3  }
0xa9: {  	[dreg:$0x3] =	wrdreg s5  }
0xaa: {  	[dreg:$0x4] =	wrdreg $0xC0  }
0xab: {  	_ =	task [dreg:s7], $0x5FFFF  }
0xac: {  	[dreg:$0x1] =	wrdreg $0xFFFFFFFF  }
0xad: {  	[dreg:$0x0] =	wrdreg $0x60  }
0xae: {  	[dreg:$0x2] =	wrdreg s2  }
0xaf: {  	[dreg:$0x3] =	wrdreg s24  }
0xb0: {  	[dreg:$0x4] =	wrdreg $0x0  }
0xb1: {  	[dreg:$0x5] =	wrdreg $0x9  }
0xb2: {  	_ =	task.clear_ibuf [dreg:s7], $0x6FFFF;
	_ =	strace $0x90000046  }
0xb3: {  	s29 =	simm.s32 $0x9;
	_ =	strace $0x80000048  }
0xb4: {  	_ =	swait.ge [sflag:s29], $0x1  }
0xb5: {  	[sflag:s29] =	ssyncadd.s32 $0xFFFFFFFF  }
0xb6: {  	_ =	strace $0x90000048  }
0xb7: {  	_ =	sfence  }
0xb8: {  	s30 =	sld [smem:$0x0];
	_ =	sdelay $0x2  }
0xb9: {  	s31 =	sshll.u32 s1, $0xD;
	s1 =	sshrl.u32 s1, $0x2  }
0xba: {  	s3 =	sand.u32 $0x4000, s31;
	s1 =	sadd.s32 s1, s30  }
0xbb: {  	s0 =	sor.u32 s3, s0;
	s1 =	sshll.u32 s1, $0x11  }
0xbc: {  	s0 =	sor.u32 s1, s0  }
0xbd: {  	s0 =	sadd.s32 $0x8F2B, s0  }
0xbe: {  	[sflag:s0] =	ssyncadd.remote.s32 $0x1  }
0xbf: {  	_ =	sfence.sel $0xFFFF  }
0xc0: {  	[dreg:$0x0] =	wrdreg $0xFFFFFFFF;
	(pc) =	sbr.abs _section_cstart, $3  }
0xc1: {  	[dreg:$0x1] =	wrdreg $0xFFFFFFFF  }
0xc2: {  	_ =	task.clear_ibuf [dreg:s7], $0x2FFFF;
	_ =	strace $0x9FFFFFFF  }
0xc3: {  	(tm) =	ssettm $0x7FFFFFFF  }
tec
execute0_lowered:
.L_overlay_start_1:
0x0: {  	(tag) =	ssettag $0x1  }
0x1: {  	s4 =	rddreg [dreg:$0x0]  }
0x2: {  	s5 =	rddreg [dreg:$0x1]  }
0x3: {  	s1 =	rddreg [dreg:$0x2];
	s7 =	stileid.u32  }
0x4: {  	s2 =	srdreg.scid;
	s0 =	rddreg [dreg:$0x3];
	s11 =	simm.s32 $0x2  }
0x5: {  	s12 =	simm.s32 $0x0;
	s3 =	sand.u32 $0x1, s2;
	s6 =	sshll.u32 s7, $0x1  }
0x6: {  	s2 =	simm.s32 $0x0;
	s8 =	smul.u32 $0x38000, s7;
	p0 =	sne.s32 s7, $0x0  }
0x7: {  	s6 =	sor.u32 s3, s6;
	[smem:$0x7FF] =	sst s2;
	s9 =	ssub.s32 $0x2, s3  }
0x8: {  	s10 =	smul.u32 $0x1C000, s3;
	s3 =	sadd.s32 $0x400, s5;
	s7 =	sshrl.u32 @!p0 s1, $0x3  }
0x9: {  	s6 =	smul.u32 $0x380, s6;
	s5 =	sadd.s32 s8, s5;
	s30 =	sshrl.u32 s9, $0x1  }
0xa: {  	_ =	strace $0x80000047;
	s8 =	ssub.s32 s9, s30;
	s31 =	sadd.s32 s10, s5  }
0xb: {  	s9 =	simm.s32 $0x70;
	s10 =	simm.s32 $0x1;
	s4 =	sadd.s32 s4, s6  }
0xc: {  	s5 =	smax.u32 s8, $0x1;
	s6 =	sadd.s32 $0xA00, s31;
	s8 =	simm.s32 $0x3  }
.LBB2_1:
0xd: {  	s13 =	simm.s32 @!p0 $0x1C03  }
0xe: {  	[spmem:s7], [sflag:s13] =	dma.local @!p0 [hbm:s3], $0x600  }
0xf: {  	s14 =	smul.u32 $0xAB, s2;
	s13 =	simm.s32 @!p0 $0x3  }
0x10: {  	_ =	swait.ge @!p0 [sflag:s13], $0x600  }
0x11: {  	s14 =	sshrl.u32 s14, $0x9;
	[sflag:s13] =	ssyncset.done @!p0 $0x0  }
0x12: {  	s26 =	sand.u32 $0x7F, s14;
	[sflag:s13] =	ssyncadd.s32 @!p0 $0xFFFFFA00  }
0x13: {  	s15 =	simm.s32 $0x300;
	s13 =	smul.u32 $0x3, s26;
	[bflag:$0x0] =	sbarrier.arrive $0xFFFF  }
0x14: {  	[tilespmem:s15], [sflag:$0x3] =	stream.linear.gather [hbm4b:s4+s2], $0x1C00, $0x38;
	[tilespmem:$0x16F00] =	vst v63  }
0x15: {  	p1 =	por $0x1, $0x1;
	s13 =	ssub.s32 $0x0, s13;
	_ =	swait.ge [sflag:s8], $0x1C00  }
0x16: {  	p1 =	por p1, p1;
	s13 =	sand.u32 $0xFF, s13;
	[sflag:s8] =	ssyncset.done $0x0  }
0x17: {  	s16 =	simm.s32 @!p1 $0x2;
	s13 =	smul.u32 $0x1C000, s13;
	[sflag:s8] =	ssyncadd.s32 $0xFFFFE400  }
0x18: {  	s17 =	simm.s32 $0x1;
	_ =	swait.ge @!p1 [sflag:s16], $0x7000  }
0x19: {  	s29 =	simm.s32 $0x370;
	s13 =	sshrl.u32 s13, $0x2;
	[sflag:s16] =	ssyncset.done @!p1 $0x0  }
0x1a: {  	s17 =	smul.u32 $0xAB, s17;
	s14 =	sadd.s32 $0x1F00, s13;
	[sflag:s16] =	ssyncadd.s32 @!p1 $0xFFFF9000  }
0x1b: {  	[tilespmem:s14], [sflag:$0x1] =	stream.indirect.gather [spmem:s1], $0x80, s15, s9, $0xb8;
	[tilespmem:$0x16F00] =	vst v63  }
0x1c: {  	p6 =	por $0x1, $0x1;
	s28 =	sshrl.u32 s17, $0x9;
	s13 =	sadd.s32 $0x5700, s13  }
0x1d: {  	[tilespmem:s13], [sflag:$0x1] =	stream.indirect.gather [spmem:s1], $0x80, s29, s9, $0xb8;
	[tilespmem:$0x16F00] =	vst v63  }
0x1e: {  	s17 =	smov.u32 s6;
	s30 =	sand.u32 $0x7F, s28;
	_ =	swait.ge [sflag:s10], $0x3800  }
0x1f: {  	s16 =	simm.s32 $0x2;
	s13 =	smul.u32 $0x3, s30;
	[sflag:s10] =	ssyncset.done $0x0  }
0x20: {  	p1 =	por p6, p6;
	s15 =	simm.s32 $0x3E0;
	[sflag:s10] =	ssyncadd.s32 $0xFFFFC800  }
0x21: {  	s18 =	simm.s32 @!p1 $0x2;
	s31 =	ssub.s32 $0x1, s13;
	_ =	swait.ge [sflag:s10], $0x3800  }
0x22: {  	s13 =	sadd.s32 $0xE00, s6;
	s19 =	sand.u32 $0xFF, s31;
	[sflag:s10] =	ssyncset.done $0x0  }
.LBB2_2:
0x23: {  	p3 =	slt.u32 s16, $0x3  }
0x24: {  	s19 =	smul.u32 $0x1C000, s19;
	[sflag:s10] =	ssyncadd.s32 $0xFFFFC800;
	s20 =	smov.u32 s16  }
0x25: {  	[hbm4b:s17+s2] =	stream.linear.scatter [tilespmem:s14], [sflag:$0x2], $0x7000, $0x38;
	[tilespmem:$0x16F00] =	vst v63  }
0x26: {  	s16 =	sadd.s32 $0x1, s16;
	_ =	swait.ge @!p1 [sflag:s18], $0x7000;
	s19 =	sshrl.u32 s19, $0x2  }
0x27: {  	p2 =	sne.s32 s16, $0x20;
	[sflag:s18] =	ssyncset.done @!p1 $0x0;
	s14 =	sadd.s32 $0x1F00, s19  }
0x28: {  	s21 =	smul.u32 $0xAB, s20;
	s17 =	smov.u32 s13;
	[sflag:s18] =	ssyncadd.s32 @!p1 $0xFFFF9000  }
0x29: {  	[tilespmem:s14], [sflag:$0x1] =	stream.indirect.gather [spmem:s1], $0x80, s15, s9, $0xb8;
	[tilespmem:$0x16F00] =	vst v63  }
0x2a: {  	s19 =	sadd.s32 $0x5700, s19;
	s18 =	sshrl.u32 s21, $0x9;
	s21 =	sadd.s32 $0x70, s15  }
0x2b: {  	[tilespmem:s19], [sflag:$0x1] =	stream.indirect.gather [spmem:s1], $0x80, s21, s9, $0xb8;
	[tilespmem:$0x16F00] =	vst v63  }
.Ltmp0:
0x2c: {  	s18 =	sand.u32 $0x7F, s18;
	_ =	swait.ge [sflag:s10], $0x3800;
	(pc) =	sbr.rel @p2 .LBB2_2-.Ltmp0, $4  }
0x2d: {  	p1 =	por p3, p3;
	s18 =	smul.u32 $0x3, s18;
	[sflag:s10] =	ssyncset.done $0x0  }
0x2e: {  	s15 =	sadd.s32 $0xE0, s15;
	[sflag:s10] =	ssyncadd.s32 $0xFFFFC800  }
0x2f: {  	s13 =	sadd.s32 $0xE00, s13;
	s18 =	ssub.s32 s20, s18;
	_ =	swait.ge [sflag:s10], $0x3800  }
0x30: {  	s19 =	sand.u32 $0xFF, s18;
	s18 =	simm.s32 @!p1 $0x2;
	[sflag:s10] =	ssyncset.done $0x0  }
0x31: {  	s16 =	smul.u32 $0x1C000, s19;
	[sflag:s10] =	ssyncadd.s32 $0xFFFFC800  }
0x32: {  	[hbm4b:s17+s2] =	stream.linear.scatter [tilespmem:s14], [sflag:$0x2], $0x7000, $0x38;
	[tilespmem:$0x16F00] =	vst v63  }
0x33: {  	_ =	swait.ge @!p1 [sflag:s18], $0x7000  }
0x34: {  	s30 =	sshrl.u32 s16, $0x2;
	[sflag:s18] =	ssyncset.done @!p1 $0x0  }
0x35: {  	s16 =	sadd.s32 $0x1F00, s30;
	[sflag:s18] =	ssyncadd.s32 @!p1 $0xFFFF9000  }
0x36: {  	[tilespmem:s16], [sflag:$0x1] =	stream.indirect.gather [spmem:s1], $0x80, s15, s9, $0xb8;
	[tilespmem:$0x16F00] =	vst v63  }
0x37: {  	s31 =	sadd.s32 $0x70, s15;
	s14 =	sadd.s32 $0x5700, s30  }
0x38: {  	[tilespmem:s14], [sflag:$0x1] =	stream.indirect.gather [spmem:s1], $0x80, s31, s9, $0xb8;
	[tilespmem:$0x16F00] =	vst v63  }
0x39: {  	_ =	swait.ge [sflag:s10], $0x3800  }
0x3a: {  	[sflag:s10] =	ssyncset.done $0x0  }
0x3b: {  	[sflag:s10] =	ssyncadd.s32 $0xFFFFC800  }
0x3c: {  	_ =	swait.ge [sflag:s10], $0x3800  }
0x3d: {  	[sflag:s10] =	ssyncset.done $0x0  }
0x3e: {  	[sflag:s10] =	ssyncadd.s32 $0xFFFFC800  }
0x3f: {  	[hbm4b:s13+s2] =	stream.linear.scatter [tilespmem:s16], [sflag:$0x2], $0x7000, $0x38;
	[tilespmem:$0x16F00] =	vst v63  }
0x40: {  	_ =	swait.ge [sflag:s11], $0x7000  }
0x41: {  	[sflag:s11] =	ssyncset.done $0x0  }
0x42: {  	s12 =	sadd.s32 $0x1, s12;
	[sflag:s11] =	ssyncadd.s32 $0xFFFF9000  }
0x43: {  	p1 =	sne.s32 s12, s5;
	_ =	swait.ge [sflag:s11], $0x7000  }
.Ltmp1:
0x44: {  	[sflag:s11] =	ssyncset.done $0x0;
	(pc) =	sbr.rel @p1 .LBB2_1-.Ltmp1, $4  }
0x45: {  	[sflag:s11] =	ssyncadd.s32 $0xFFFF9000  }
0x46: {  	_ =	swait.ge [sflag:s11], $0x7000  }
0x47: {  	[sflag:s11] =	ssyncset.done $0x0  }
0x48: {  	[sflag:s11] =	ssyncadd.s32 $0xFFFF9000  }
0x49: {  	_ =	sfence.sel $0x180000  }
0x4a: {  	[bflag:$0x0] =	sbarrier.arrive $0xFFFF  }
0x4b: {  	_ =	strace $0x90000047  }
0x4c: {  	s0 =	sadd.s32 @!p0 $0x100000, s0;
	[bflag:$0x2] =	sbarrier.arrive $0xFFFF  }
0x4d: {  	[sflag:s0] =	ssyncadd.tile.s32 @!p0 $0x1;
	_ =	shalt  }
.Lfunc_end2:
_tile_overlayer_lowered:
.L_overlay_start_2:
0x4e: {  	(tag) =	ssettag $0x2  }
0x4f: {  	s0 =	rddreg [dreg:$0x0];
	s2 =	stileid.u32  }
0x50: {  	s1 =	rddreg [dreg:$0x1];
	p0 =	sne.s32 s2, $0x0  }
0x51: {  	s3 =	rddreg [dreg:$0x2];
	[bflag:$0x3] =	sbarrier.arrive $0xFFFF;
	s2 =	simm.s32 @!p0 $0x1C03  }
0x52: {  	[timem:s3], [sflag:s2] =	dma.local @!p0 [hbm:s0], s1  }
0x53: {  	s0 =	simm.s32 @!p0 $0x3  }
0x54: {  	_ =	swait.ge @!p0 [sflag:s0], s1  }
0x55: {  	s1 =	ssub.s32 @!p0 $0x0, s1;
	[sflag:s0] =	ssyncset.done @!p0 $0x0  }
0x56: {  	[sflag:s0] =	ssyncadd.s32 @!p0 s1  }
0x57: {  	[bflag:$0x3] =	sbarrier.arrive $0xFFFF  }
0x58: {  	_ =	shalt  }

</sc_bundles>
